<compile_context>
chip_gen: v7x
topology: tpu7x:2x2x1
jax: 0.10.2.dev20260603
libtpu: 0.0.44.dev20260713+nightly
codegen_flags: <defaults>
</compile_context>

<pallas_src>
import jax
import jax.numpy as jnp
import numpy as np
from jax import lax
from jax.experimental import pallas as pl
from jax.experimental.pallas import tpu as pltpu
from jax.experimental.pallas import tpu_sc as plsc

B = 16
S = 4096
L = 16
STEPS = S // L

PEAK_WEIGHT = 2.0
TIME_WEIGHT = 1.0
OVERALL_WEIGHT = 0.5

FMIN = np.float32(np.finfo(np.float32).min)
IMAX = np.int32(np.iinfo(np.int32).max)


def _sqrt_newton(x):
    xi = plsc.bitcast(x, jnp.int32)
    yi = jnp.int32(0x1FBD1DF5) + (xi >> 1)
    y = plsc.bitcast(yi, jnp.float32)
    half = jnp.float32(0.5)
    y = half * (y + x / y)
    y = half * (y + x / y)
    y = half * (y + x / y)
    return jnp.where(x > 0.0, y, 0.0)


def _body(pred_hbm, targ_hbm, mask_hbm, out_hbm,
          pred_v, targ_v, mask_v, contrib_v, shared, sem):
    row = lax.axis_index("s")

    cp = pltpu.async_copy(pred_hbm.at[row], pred_v, sem)
    ct = pltpu.async_copy(targ_hbm.at[row], targ_v, sem)
    cm = pltpu.async_copy(mask_hbm.at[row], mask_v, sem)

    contrib_v[...] = jnp.zeros((L,), jnp.float32)

    @pl.when(row == 0)
    def _():
        pltpu.sync_copy(contrib_v, shared)

    plsc.subcore_barrier()

    cp.wait()
    ct.wait()
    cm.wait()

    lanes = lax.iota(jnp.int32, L)

    def step(i, carry):
        sumsq, cnt, pbest, pidx, tbest, tidx, idx = carry
        sl = pl.ds(i, L)
        p = pred_v[sl]
        t = targ_v[sl]
        m = mask_v[sl]
        mb = m > 0
        d = p - t
        sumsq = sumsq + jnp.where(mb, d * d, 0.0)
        cnt = cnt + m

        pm = jnp.where(mb, p, FMIN)
        tm = jnp.where(mb, t, FMIN)
        pt = pm > pbest
        pbest = jnp.where(pt, pm, pbest)
        pidx = jnp.where(pt, idx, pidx)
        tt = tm > tbest
        tbest = jnp.where(tt, tm, tbest)
        tidx = jnp.where(tt, idx, tidx)
        return sumsq, cnt, pbest, pidx, tbest, tidx, idx + L

    init = (
        jnp.zeros((L,), jnp.float32),
        jnp.zeros((L,), jnp.int32),
        jnp.full((L,), -jnp.inf, jnp.float32),
        jnp.zeros((L,), jnp.int32),
        jnp.full((L,), -jnp.inf, jnp.float32),
        jnp.zeros((L,), jnp.int32),
        lanes,
    )
    sumsq, cnt, pbest, pidx, tbest, tidx, _ = plsc.parallel_loop(
        0, S, L, unroll=4, carry=init)(step)

    tot_sq = jnp.sum(sumsq)
    tot_cnt = jnp.sum(cnt)

    denom = jnp.maximum(tot_cnt, 1).astype(jnp.float32)
    msq = jnp.broadcast_to(tot_sq, (L,)) / jnp.broadcast_to(denom, (L,))
    rmse = _sqrt_newton(msq)

    pmax = jnp.max(pbest)
    pi = jnp.min(jnp.where(pbest == jnp.broadcast_to(pmax, (L,)), pidx, IMAX))
    tmax = jnp.max(tbest)
    ti = jnp.min(jnp.where(tbest == jnp.broadcast_to(tmax, (L,)), tidx, IMAX))

    peak_err = jnp.abs(pmax - tmax)
    time_err = jnp.abs(pi.astype(jnp.float32) - ti.astype(jnp.float32))
    loss = (jnp.float32(PEAK_WEIGHT) * peak_err
            + jnp.float32(TIME_WEIGHT) * time_err
            + jnp.float32(OVERALL_WEIGHT) * rmse)
    loss = jnp.where(tot_cnt > 0, loss, 0.0)

    contrib_v[...] = loss * jnp.float32(1.0 / B)
    pltpu.sync_copy(contrib_v, shared.at[lanes], add=True)
    plsc.subcore_barrier()

    @pl.when(row == 0)
    def _():
        pltpu.sync_copy(shared, out_hbm)


@jax.jit
def _sc_loss(predictions, targets, flood_mask):
    mesh = plsc.VectorSubcoreMesh(
        core_axis_name="c", subcore_axis_name="s", num_cores=1)
    fn = pl.kernel(
        _body,
        out_type=jax.ShapeDtypeStruct((L,), jnp.float32),
        mesh=mesh,
        scratch_types=[
            pltpu.VMEM((S,), jnp.float32),
            pltpu.VMEM((S,), jnp.float32),
            pltpu.VMEM((S,), jnp.int32),
            pltpu.VMEM((L,), jnp.float32),
            pltpu.VMEM_SHARED((L,), jnp.float32),
            pltpu.SemaphoreType.DMA,
        ],
        compiler_params=pltpu.CompilerParams(needs_layout_passes=False),
    )
    return fn(predictions, targets, flood_mask)


def kernel(predictions, targets, flood_mask):
    return _sc_loss(predictions, targets, flood_mask)[0]

# --- scband reference (transcript-rebuilt; emitter-appended) ---
"""Pipeline reference for scband-peak-focused-flood-loss-16612933501050 (READ-ONLY COPY).

The authoritative reference and input builder live on the scoring server;
editing this copy changes nothing except your own understanding.
"""

import jax, jax.numpy as jnp
import numpy as np

PEAK_WEIGHT = 2.0
TIME_WEIGHT = 1.0
OVERALL_WEIGHT = 0.5


def setup_inputs(seed: int = 0) -> dict:
    key = jax.random.key(seed)
    k1, k2, k3 = jax.random.split(key, 3)
    B, S = 16, 4096
    predictions = jax.random.normal(k1, (B, S), dtype=jnp.float32)
    targets = jax.random.normal(k2, (B, S), dtype=jnp.float32)
    flood_mask = jax.random.randint(k3, (B, S), 0, 2).astype(jnp.int32)
    return {"predictions": predictions, "targets": targets, "flood_mask": flood_mask}


def _loss(predictions, targets, flood_mask):
    # 2D inputs [B, S]; mask 1 for flood, 0 for normal
    mask = flood_mask > 0
    # overall RMSE over flood-period, non-NaN points (per sample)
    valid = mask & (~jnp.isnan(predictions)) & (~jnp.isnan(targets))
    sq_err = jnp.where(valid, (predictions - targets) ** 2, 0.0)
    cnt = jnp.sum(valid, axis=1)
    overall_rmse = jnp.sqrt(jnp.sum(sq_err, axis=1) / jnp.maximum(cnt, 1).astype(jnp.float32))
    # peaks inside flood period (argmax over masked sequence == flood_indices[argmax(flood_seq)])
    neg_inf = jnp.finfo(jnp.float32).min
    pm = jnp.where(mask, predictions, neg_inf)
    tm = jnp.where(mask, targets, neg_inf)
    pred_peak = jnp.max(pm, axis=1)
    true_peak = jnp.max(tm, axis=1)
    pred_idx = jnp.argmax(pm, axis=1).astype(jnp.float32)
    true_idx = jnp.argmax(tm, axis=1).astype(jnp.float32)
    # torch code extracts peak values/indices via .item() -> detached constants
    peak_error = jnp.abs(jax.lax.stop_gradient(pred_peak) - jax.lax.stop_gradient(true_peak))
    time_error = jnp.abs(jax.lax.stop_gradient(pred_idx) - jax.lax.stop_gradient(true_idx))
    sample_loss = (PEAK_WEIGHT * peak_error
                   + TIME_WEIGHT * time_error
                   + OVERALL_WEIGHT * overall_rmse)
    # samples with no flood points contribute 0
    sample_loss = jnp.where(cnt > 0, sample_loss, 0.0)
    return jnp.mean(sample_loss)  # reduction='mean'


def reference(predictions, targets, flood_mask):
    return _loss(predictions, targets, flood_mask)

if __name__ == "__main__":
    import jax
    _d = setup_inputs()
    print(jax.jit(kernel)(*tuple(_d.values())))

</pallas_src>

<mosaic_0001>
#map = affine_map<(d0, d1) -> (0, 0)>
#map1 = affine_map<(d0, d1) -> (0)>
module attributes {stable_mosaic.version = 14 : i64} {
  func.func @_body(%arg0: i32, %arg1: i32, %arg2: memref<16x4096xf32, #tpu.memory_space<hbm>>, %arg3: memref<16x4096xf32, #tpu.memory_space<hbm>>, %arg4: memref<16x4096xi32, #tpu.memory_space<hbm>>, %arg5: memref<16xf32, #tpu.memory_space<hbm>>, %arg6: memref<4096xf32, #tpu.memory_space<vmem>>, %arg7: memref<4096xf32, #tpu.memory_space<vmem>>, %arg8: memref<4096xi32, #tpu.memory_space<vmem>>, %arg9: memref<16xf32, #tpu.memory_space<vmem>>, %arg10: memref<16xf32, #tpu.memory_space<vmem_shared>>, %arg11: memref<!tpu.dma_semaphore, #tpu.memory_space<semaphore_mem>>) attributes {dimension_semantics = [#tpu.dimension_semantics<core_parallel>, #tpu.dimension_semantics<subcore_parallel>], iteration_bounds = array<i64: 1, 16>, scalar_prefetch = 0 : i64, scratch_operands = 6 : i64, tpu.core_type = #tpu.core_type<sc_vector_subcore>, window_params = [{transform_indices = #map}, {transform_indices = #map}, {transform_indices = #map}, {transform_indices = #map1}]} {
    %dma_start3A = arith.constant 0 : i32
    %dma_start3A_0 = tpu.memref_slice %arg2[%arg1, %dma_start3A] : memref<16x4096xf32, #tpu.memory_space<hbm>> -> memref<1x4096xf32, #tpu.memory_space<hbm>>
    %dma_start3A_1 = tpu.memref_squeeze %dma_start3A_0 : memref<1x4096xf32, #tpu.memory_space<hbm>> -> memref<4096xf32, #tpu.memory_space<hbm>>
    %dma_start3A_2 = arith.constant 0 : i32
    %dma_start3A_3 = tpu.memref_slice %arg2[%arg1, %dma_start3A_2] : memref<16x4096xf32, #tpu.memory_space<hbm>> -> memref<1x4096xf32, #tpu.memory_space<hbm>>
    %dma_start3A_4 = tpu.memref_squeeze %dma_start3A_3 : memref<1x4096xf32, #tpu.memory_space<hbm>> -> memref<4096xf32, #tpu.memory_space<hbm>>
    tpu.enqueue_dma source(%dma_start3A_4 : memref<4096xf32, #tpu.memory_space<hbm>>) target(%arg6 : memref<4096xf32, #tpu.memory_space<vmem>>) target_semaphore(%arg11 : memref<!tpu.dma_semaphore, #tpu.memory_space<semaphore_mem>>)
    %dma_start3A_5 = arith.constant 0 : i32
    %dma_start3A_6 = tpu.memref_slice %arg3[%arg1, %dma_start3A_5] : memref<16x4096xf32, #tpu.memory_space<hbm>> -> memref<1x4096xf32, #tpu.memory_space<hbm>>
    %dma_start3A_7 = tpu.memref_squeeze %dma_start3A_6 : memref<1x4096xf32, #tpu.memory_space<hbm>> -> memref<4096xf32, #tpu.memory_space<hbm>>
    %dma_start3A_8 = arith.constant 0 : i32
    %dma_start3A_9 = tpu.memref_slice %arg3[%arg1, %dma_start3A_8] : memref<16x4096xf32, #tpu.memory_space<hbm>> -> memref<1x4096xf32, #tpu.memory_space<hbm>>
    %dma_start3A_10 = tpu.memref_squeeze %dma_start3A_9 : memref<1x4096xf32, #tpu.memory_space<hbm>> -> memref<4096xf32, #tpu.memory_space<hbm>>
    tpu.enqueue_dma source(%dma_start3A_10 : memref<4096xf32, #tpu.memory_space<hbm>>) target(%arg7 : memref<4096xf32, #tpu.memory_space<vmem>>) target_semaphore(%arg11 : memref<!tpu.dma_semaphore, #tpu.memory_space<semaphore_mem>>)
    %dma_start3A_11 = arith.constant 0 : i32
    %dma_start3A_12 = tpu.memref_slice %arg4[%arg1, %dma_start3A_11] : memref<16x4096xi32, #tpu.memory_space<hbm>> -> memref<1x4096xi32, #tpu.memory_space<hbm>>
    %dma_start3A_13 = tpu.memref_squeeze %dma_start3A_12 : memref<1x4096xi32, #tpu.memory_space<hbm>> -> memref<4096xi32, #tpu.memory_space<hbm>>
    %dma_start3A_14 = arith.constant 0 : i32
    %dma_start3A_15 = tpu.memref_slice %arg4[%arg1, %dma_start3A_14] : memref<16x4096xi32, #tpu.memory_space<hbm>> -> memref<1x4096xi32, #tpu.memory_space<hbm>>
    %dma_start3A_16 = tpu.memref_squeeze %dma_start3A_15 : memref<1x4096xi32, #tpu.memory_space<hbm>> -> memref<4096xi32, #tpu.memory_space<hbm>>
    tpu.enqueue_dma source(%dma_start3A_16 : memref<4096xi32, #tpu.memory_space<hbm>>) target(%arg8 : memref<4096xi32, #tpu.memory_space<vmem>>) target_semaphore(%arg11 : memref<!tpu.dma_semaphore, #tpu.memory_space<semaphore_mem>>)
    %broadcast_in_dim3A = arith.constant 0.000000e+00 : f32
    %broadcast_in_dim3A_17 = vector.broadcast %broadcast_in_dim3A : f32 to vector<16xf32>
    %swap3A = arith.constant 0 : index
    %swap3A_18 = tpu.vector_load %arg9[%swap3A] {strides = array<i32>} : memref<16xf32, #tpu.memory_space<vmem>>, vector<16xf32>,
    tpu.vector_store %arg9[%swap3A], %broadcast_in_dim3A_17 {strides = array<i32>} : memref<16xf32, #tpu.memory_space<vmem>>, vector<16xf32>,
    %eq3A = arith.constant 0 : i32
    %eq3A_19 = arith.cmpi eq, %arg1, %eq3A : i32
    %convert_element_type3A = arith.extui %eq3A_19 : i1 to i32
    %cond3A = arith.constant 0 : i32
    %cond3A_20 = arith.cmpi ne, %convert_element_type3A, %cond3A : i32
    scf.if %cond3A_20 {
      "tpu.region"() ({
        %run_scoped3A = tpu.sem_alloc : memref<!tpu.dma_semaphore, #tpu.memory_space<semaphore_mem>>
        tpu.enqueue_dma source(%arg9 : memref<16xf32, #tpu.memory_space<vmem>>) target(%arg10 : memref<16xf32, #tpu.memory_space<vmem_shared>>) target_semaphore(%run_scoped3A : memref<!tpu.dma_semaphore, #tpu.memory_space<semaphore_mem>>)
        tpu.wait_dma2 semaphore(%run_scoped3A : memref<!tpu.dma_semaphore, #tpu.memory_space<semaphore_mem>>) src(%arg9 : memref<16xf32, #tpu.memory_space<vmem>>) dst(%arg10 : memref<16xf32, #tpu.memory_space<vmem_shared>>)
        tpu.yield
      }) : () -> ()
    } else {
    }
    %barrier3A = arith.constant 0 : index
    tpu.barrier barrier_id(%barrier3A)
    %dma_wait3A = arith.constant 0 : i32
    %dma_wait3A_21 = tpu.memref_slice %arg2[%arg1, %dma_wait3A] : memref<16x4096xf32, #tpu.memory_space<hbm>> -> memref<1x4096xf32, #tpu.memory_space<hbm>>
    %dma_wait3A_22 = tpu.memref_squeeze %dma_wait3A_21 : memref<1x4096xf32, #tpu.memory_space<hbm>> -> memref<4096xf32, #tpu.memory_space<hbm>>
    %dma_wait3A_23 = arith.constant 0 : i32
    %dma_wait3A_24 = tpu.memref_slice %arg2[%arg1, %dma_wait3A_23] : memref<16x4096xf32, #tpu.memory_space<hbm>> -> memref<1x4096xf32, #tpu.memory_space<hbm>>
    %dma_wait3A_25 = tpu.memref_squeeze %dma_wait3A_24 : memref<1x4096xf32, #tpu.memory_space<hbm>> -> memref<4096xf32, #tpu.memory_space<hbm>>
    tpu.wait_dma2 semaphore(%arg11 : memref<!tpu.dma_semaphore, #tpu.memory_space<semaphore_mem>>) src(%dma_wait3A_25 : memref<4096xf32, #tpu.memory_space<hbm>>) dst(%arg6 : memref<4096xf32, #tpu.memory_space<vmem>>)
    %dma_wait3A_26 = arith.constant 0 : i32
    %dma_wait3A_27 = tpu.memref_slice %arg3[%arg1, %dma_wait3A_26] : memref<16x4096xf32, #tpu.memory_space<hbm>> -> memref<1x4096xf32, #tpu.memory_space<hbm>>
    %dma_wait3A_28 = tpu.memref_squeeze %dma_wait3A_27 : memref<1x4096xf32, #tpu.memory_space<hbm>> -> memref<4096xf32, #tpu.memory_space<hbm>>
    %dma_wait3A_29 = arith.constant 0 : i32
    %dma_wait3A_30 = tpu.memref_slice %arg3[%arg1, %dma_wait3A_29] : memref<16x4096xf32, #tpu.memory_space<hbm>> -> memref<1x4096xf32, #tpu.memory_space<hbm>>
    %dma_wait3A_31 = tpu.memref_squeeze %dma_wait3A_30 : memref<1x4096xf32, #tpu.memory_space<hbm>> -> memref<4096xf32, #tpu.memory_space<hbm>>
    tpu.wait_dma2 semaphore(%arg11 : memref<!tpu.dma_semaphore, #tpu.memory_space<semaphore_mem>>) src(%dma_wait3A_31 : memref<4096xf32, #tpu.memory_space<hbm>>) dst(%arg7 : memref<4096xf32, #tpu.memory_space<vmem>>)
    %dma_wait3A_32 = arith.constant 0 : i32
    %dma_wait3A_33 = tpu.memref_slice %arg4[%arg1, %dma_wait3A_32] : memref<16x4096xi32, #tpu.memory_space<hbm>> -> memref<1x4096xi32, #tpu.memory_space<hbm>>
    %dma_wait3A_34 = tpu.memref_squeeze %dma_wait3A_33 : memref<1x4096xi32, #tpu.memory_space<hbm>> -> memref<4096xi32, #tpu.memory_space<hbm>>
    %dma_wait3A_35 = arith.constant 0 : i32
    %dma_wait3A_36 = tpu.memref_slice %arg4[%arg1, %dma_wait3A_35] : memref<16x4096xi32, #tpu.memory_space<hbm>> -> memref<1x4096xi32, #tpu.memory_space<hbm>>
    %dma_wait3A_37 = tpu.memref_squeeze %dma_wait3A_36 : memref<1x4096xi32, #tpu.memory_space<hbm>> -> memref<4096xi32, #tpu.memory_space<hbm>>
    tpu.wait_dma2 semaphore(%arg11 : memref<!tpu.dma_semaphore, #tpu.memory_space<semaphore_mem>>) src(%dma_wait3A_37 : memref<4096xi32, #tpu.memory_space<hbm>>) dst(%arg8 : memref<4096xi32, #tpu.memory_space<vmem>>)
    %iota3A = tpu.iota {dimensions = array<i32: 0>} : vector<16xi32>
    %broadcast_in_dim3A_38 = arith.constant 0.000000e+00 : f32
    %broadcast_in_dim3A_39 = vector.broadcast %broadcast_in_dim3A_38 : f32 to vector<16xf32>
    %broadcast_in_dim3A_40 = arith.constant 0 : i32
    %broadcast_in_dim3A_41 = vector.broadcast %broadcast_in_dim3A_40 : i32 to vector<16xi32>
    %broadcast_in_dim3A_42 = arith.constant 0xFF800000 : f32
    %broadcast_in_dim3A_43 = vector.broadcast %broadcast_in_dim3A_42 : f32 to vector<16xf32>
    %broadcast_in_dim3A_44 = arith.constant 0 : i32
    %broadcast_in_dim3A_45 = vector.broadcast %broadcast_in_dim3A_44 : i32 to vector<16xi32>
    %broadcast_in_dim3A_46 = arith.constant 0xFF800000 : f32
    %broadcast_in_dim3A_47 = vector.broadcast %broadcast_in_dim3A_46 : f32 to vector<16xf32>
    %broadcast_in_dim3A_48 = arith.constant 0 : i32
    %broadcast_in_dim3A_49 = vector.broadcast %broadcast_in_dim3A_48 : i32 to vector<16xi32>
    %parallel_loop3A = arith.constant 0 : i32
    %parallel_loop3A_50 = arith.constant 4096 : i32
    %parallel_loop3A_51 = arith.constant 16 : i32
    %parallel_loop3A_52:7 = scf.for %parallel_loop3A_148 = %parallel_loop3A to %parallel_loop3A_50 step %parallel_loop3A_51 iter_args(%parallel_loop3A_149 = %broadcast_in_dim3A_39, %parallel_loop3A_150 = %broadcast_in_dim3A_41, %parallel_loop3A_151 = %broadcast_in_dim3A_43, %parallel_loop3A_152 = %broadcast_in_dim3A_45, %parallel_loop3A_153 = %broadcast_in_dim3A_47, %parallel_loop3A_154 = %broadcast_in_dim3A_49, %parallel_loop3A_155 = %iota3A) -> (vector<16xf32>, vector<16xi32>, vector<16xf32>, vector<16xi32>, vector<16xf32>, vector<16xi32>, vector<16xi32>)  : i32 {
      %parallel_loop3A_156 = arith.index_cast %parallel_loop3A_148 : i32 to index
      %parallel_loop3A_157 = tpu.vector_load %arg6[%parallel_loop3A_156] {strides = array<i32>} : memref<4096xf32, #tpu.memory_space<vmem>>, vector<16xf32>,
      %parallel_loop3A_158 = arith.index_cast %parallel_loop3A_148 : i32 to index
      %parallel_loop3A_159 = tpu.vector_load %arg7[%parallel_loop3A_158] {strides = array<i32>} : memref<4096xf32, #tpu.memory_space<vmem>>, vector<16xf32>,
      %parallel_loop3A_160 = arith.index_cast %parallel_loop3A_148 : i32 to index
      %parallel_loop3A_161 = tpu.vector_load %arg8[%parallel_loop3A_160] {strides = array<i32>} : memref<4096xi32, #tpu.memory_space<vmem>>, vector<16xi32>,
      %parallel_loop3A_162 = arith.constant 0 : i32
      %parallel_loop3A_163 = vector.broadcast %parallel_loop3A_162 : i32 to vector<16xi32>
      %parallel_loop3A_164 = arith.cmpi sgt, %parallel_loop3A_161, %parallel_loop3A_163 : vector<16xi32>
      %parallel_loop3A_165 = arith.subf %parallel_loop3A_157, %parallel_loop3A_159 : vector<16xf32>
      %parallel_loop3A_166 = arith.mulf %parallel_loop3A_165, %parallel_loop3A_165 : vector<16xf32>
      %parallel_loop3A_167 = arith.constant 0.000000e+00 : f32
      %parallel_loop3A_168 = vector.broadcast %parallel_loop3A_167 : f32 to vector<16xf32>
      %parallel_loop3A_169 = arith.select %parallel_loop3A_164, %parallel_loop3A_166, %parallel_loop3A_168 : vector<16xi1>, vector<16xf32>
      %parallel_loop3A_170 = arith.addf %parallel_loop3A_149, %parallel_loop3A_169 : vector<16xf32>
      %parallel_loop3A_171 = arith.addi %parallel_loop3A_150, %parallel_loop3A_161 : vector<16xi32>
      %parallel_loop3A_172 = arith.constant -3.40282347E+38 : f32
      %parallel_loop3A_173 = vector.broadcast %parallel_loop3A_172 : f32 to vector<16xf32>
      %parallel_loop3A_174 = arith.select %parallel_loop3A_164, %parallel_loop3A_157, %parallel_loop3A_173 : vector<16xi1>, vector<16xf32>
      %parallel_loop3A_175 = arith.constant -3.40282347E+38 : f32
      %parallel_loop3A_176 = vector.broadcast %parallel_loop3A_175 : f32 to vector<16xf32>
      %parallel_loop3A_177 = arith.select %parallel_loop3A_164, %parallel_loop3A_159, %parallel_loop3A_176 : vector<16xi1>, vector<16xf32>
      %parallel_loop3A_178 = arith.cmpf ogt, %parallel_loop3A_174, %parallel_loop3A_151 : vector<16xf32>
      %parallel_loop3A_179 = arith.select %parallel_loop3A_178, %parallel_loop3A_174, %parallel_loop3A_151 : vector<16xi1>, vector<16xf32>
      %parallel_loop3A_180 = arith.select %parallel_loop3A_178, %parallel_loop3A_155, %parallel_loop3A_152 : vector<16xi1>, vector<16xi32>
      %parallel_loop3A_181 = arith.cmpf ogt, %parallel_loop3A_177, %parallel_loop3A_153 : vector<16xf32>
      %parallel_loop3A_182 = arith.select %parallel_loop3A_181, %parallel_loop3A_177, %parallel_loop3A_153 : vector<16xi1>, vector<16xf32>
      %parallel_loop3A_183 = arith.select %parallel_loop3A_181, %parallel_loop3A_155, %parallel_loop3A_154 : vector<16xi1>, vector<16xi32>
      %parallel_loop3A_184 = arith.constant 16 : i32
      %parallel_loop3A_185 = vector.broadcast %parallel_loop3A_184 : i32 to vector<16xi32>
      %parallel_loop3A_186 = arith.addi %parallel_loop3A_155, %parallel_loop3A_185 : vector<16xi32>
      scf.yield %parallel_loop3A_170, %parallel_loop3A_171, %parallel_loop3A_179, %parallel_loop3A_180, %parallel_loop3A_182, %parallel_loop3A_183, %parallel_loop3A_186 : vector<16xf32>, vector<16xi32>, vector<16xf32>, vector<16xi32>, vector<16xf32>, vector<16xi32>, vector<16xi32>
    } {sc.loop_unroll_factor = 4 : i64, sc.parallel_access}
    %reduce_sum3A = arith.constant true
    %reduce_sum3A_53 = vector.broadcast %reduce_sum3A : i1 to vector<16xi1>
    %reduce_sum3A_54 = tpu.scan <sum>, %parallel_loop3A_52#0 masked %reduce_sum3A_53 : vector<16xf32>, vector<16xi1> -> vector<16xf32>
    %reduce_sum3A_55 = vector.extract %reduce_sum3A_54[15] : f32 from vector<16xf32>
    %reduce_sum3A_56 = arith.constant true
    %reduce_sum3A_57 = vector.broadcast %reduce_sum3A_56 : i1 to vector<16xi1>
    %reduce_sum3A_58 = tpu.scan <sum>, %parallel_loop3A_52#1 masked %reduce_sum3A_57 : vector<16xi32>, vector<16xi1> -> vector<16xi32>
    %reduce_sum3A_59 = vector.extract %reduce_sum3A_58[15] : i32 from vector<16xi32>
    %max3A = arith.constant 1 : i32
    %max3A_60 = arith.maxsi %reduce_sum3A_59, %max3A : i32
    %convert_element_type3A_61 = arith.sitofp %max3A_60 : i32 to f32
    %broadcast_in_dim3A_62 = vector.broadcast %reduce_sum3A_55 : f32 to vector<16xf32>
    %broadcast_in_dim3A_63 = vector.broadcast %convert_element_type3A_61 : f32 to vector<16xf32>
    %div3A = arith.divf %broadcast_in_dim3A_62, %broadcast_in_dim3A_63 : vector<16xf32>
    %bitcast3A = vector.bitcast %div3A : vector<16xf32> to vector<16xi32>
    %shift_right_arithmetic3A = arith.constant 1 : i32
    %shift_right_arithmetic3A_64 = vector.broadcast %shift_right_arithmetic3A : i32 to vector<16xi32>
    %shift_right_arithmetic3A_65 = arith.shrsi %bitcast3A, %shift_right_arithmetic3A_64 : vector<16xi32>
    %add3A = arith.constant 532487669 : i32
    %add3A_66 = vector.broadcast %add3A : i32 to vector<16xi32>
    %add3A_67 = arith.addi %add3A_66, %shift_right_arithmetic3A_65 : vector<16xi32>
    %bitcast3A_68 = vector.bitcast %add3A_67 : vector<16xi32> to vector<16xf32>
    %div3A_69 = arith.divf %div3A, %bitcast3A_68 : vector<16xf32>
    %add3A_70 = arith.addf %bitcast3A_68, %div3A_69 : vector<16xf32>
    %mul3A = arith.constant 5.000000e-01 : f32
    %mul3A_71 = vector.broadcast %mul3A : f32 to vector<16xf32>
    %mul3A_72 = arith.mulf %mul3A_71, %add3A_70 : vector<16xf32>
    %div3A_73 = arith.divf %div3A, %mul3A_72 : vector<16xf32>
    %add3A_74 = arith.addf %mul3A_72, %div3A_73 : vector<16xf32>
    %mul3A_75 = arith.constant 5.000000e-01 : f32
    %mul3A_76 = vector.broadcast %mul3A_75 : f32 to vector<16xf32>
    %mul3A_77 = arith.mulf %mul3A_76, %add3A_74 : vector<16xf32>
    %div3A_78 = arith.divf %div3A, %mul3A_77 : vector<16xf32>
    %add3A_79 = arith.addf %mul3A_77, %div3A_78 : vector<16xf32>
    %mul3A_80 = arith.constant 5.000000e-01 : f32
    %mul3A_81 = vector.broadcast %mul3A_80 : f32 to vector<16xf32>
    %mul3A_82 = arith.mulf %mul3A_81, %add3A_79 : vector<16xf32>
    %gt3A = arith.constant 0.000000e+00 : f32
    %gt3A_83 = vector.broadcast %gt3A : f32 to vector<16xf32>
    %gt3A_84 = arith.cmpf ogt, %div3A, %gt3A_83 : vector<16xf32>
    %jit3A = arith.constant 0.000000e+00 : f32
    %broadcast_in_dim3A_85 = vector.broadcast %jit3A : f32 to vector<16xf32>
    %select_n3A = arith.select %gt3A_84, %mul3A_82, %broadcast_in_dim3A_85 : vector<16xi1>, vector<16xf32>
    %reduce_max3A = arith.constant true
    %reduce_max3A_86 = vector.broadcast %reduce_max3A : i1 to vector<16xi1>
    %reduce_max3A_87 = tpu.scan <max>, %parallel_loop3A_52#2 masked %reduce_max3A_86 : vector<16xf32>, vector<16xi1> -> vector<16xf32>
    %reduce_max3A_88 = vector.extract %reduce_max3A_87[15] : f32 from vector<16xf32>
    %broadcast_in_dim3A_89 = vector.broadcast %reduce_max3A_88 : f32 to vector<16xf32>
    %eq3A_90 = arith.cmpf oeq, %parallel_loop3A_52#2, %broadcast_in_dim3A_89 : vector<16xf32>
    %jit3A_91 = arith.constant 2147483647 : i32
    %broadcast_in_dim3A_92 = vector.broadcast %jit3A_91 : i32 to vector<16xi32>
    %select_n3A_93 = arith.select %eq3A_90, %parallel_loop3A_52#3, %broadcast_in_dim3A_92 : vector<16xi1>, vector<16xi32>
    %reduce_min3A = arith.constant true
    %reduce_min3A_94 = vector.broadcast %reduce_min3A : i1 to vector<16xi1>
    %reduce_min3A_95 = arith.constant -2147483648 : i32
    %reduce_min3A_96 = vector.broadcast %reduce_min3A_95 : i32 to vector<16xi32>
    %reduce_min3A_97 = arith.xori %select_n3A_93, %reduce_min3A_96 : vector<16xi32>
    %reduce_min3A_98 = tpu.scan <min>, %reduce_min3A_97 masked %reduce_min3A_94 : vector<16xi32>, vector<16xi1> -> vector<16xi32>
    %reduce_min3A_99 = arith.xori %reduce_min3A_98, %reduce_min3A_96 : vector<16xi32>
    %reduce_min3A_100 = vector.extract %reduce_min3A_99[15] : i32 from vector<16xi32>
    %reduce_max3A_101 = arith.constant true
    %reduce_max3A_102 = vector.broadcast %reduce_max3A_101 : i1 to vector<16xi1>
    %reduce_max3A_103 = tpu.scan <max>, %parallel_loop3A_52#4 masked %reduce_max3A_102 : vector<16xf32>, vector<16xi1> -> vector<16xf32>
    %reduce_max3A_104 = vector.extract %reduce_max3A_103[15] : f32 from vector<16xf32>
    %broadcast_in_dim3A_105 = vector.broadcast %reduce_max3A_104 : f32 to vector<16xf32>
    %eq3A_106 = arith.cmpf oeq, %parallel_loop3A_52#4, %broadcast_in_dim3A_105 : vector<16xf32>
    %jit3A_107 = arith.constant 2147483647 : i32
    %broadcast_in_dim3A_108 = vector.broadcast %jit3A_107 : i32 to vector<16xi32>
    %select_n3A_109 = arith.select %eq3A_106, %parallel_loop3A_52#5, %broadcast_in_dim3A_108 : vector<16xi1>, vector<16xi32>
    %reduce_min3A_110 = arith.constant true
    %reduce_min3A_111 = vector.broadcast %reduce_min3A_110 : i1 to vector<16xi1>
    %reduce_min3A_112 = arith.constant -2147483648 : i32
    %reduce_min3A_113 = vector.broadcast %reduce_min3A_112 : i32 to vector<16xi32>
    %reduce_min3A_114 = arith.xori %select_n3A_109, %reduce_min3A_113 : vector<16xi32>
    %reduce_min3A_115 = tpu.scan <min>, %reduce_min3A_114 masked %reduce_min3A_111 : vector<16xi32>, vector<16xi1> -> vector<16xi32>
    %reduce_min3A_116 = arith.xori %reduce_min3A_115, %reduce_min3A_113 : vector<16xi32>
    %reduce_min3A_117 = vector.extract %reduce_min3A_116[15] : i32 from vector<16xi32>
    %sub3A = arith.subf %reduce_max3A_88, %reduce_max3A_104 : f32
    %abs3A = math.absf %sub3A : f32
    %convert_element_type3A_118 = arith.sitofp %reduce_min3A_100 : i32 to f32
    %convert_element_type3A_119 = arith.sitofp %reduce_min3A_117 : i32 to f32
    %sub3A_120 = arith.subf %convert_element_type3A_118, %convert_element_type3A_119 : f32
    %abs3A_121 = math.absf %sub3A_120 : f32
    %mul3A_122 = arith.constant 2.000000e+00 : f32
    %mul3A_123 = arith.mulf %mul3A_122, %abs3A : f32
    %mul3A_124 = arith.constant 1.000000e+00 : f32
    %mul3A_125 = arith.mulf %mul3A_124, %abs3A_121 : f32
    %add3A_126 = arith.addf %mul3A_123, %mul3A_125 : f32
    %mul3A_127 = arith.constant 5.000000e-01 : f32
    %mul3A_128 = vector.broadcast %mul3A_127 : f32 to vector<16xf32>
    %mul3A_129 = arith.mulf %mul3A_128, %select_n3A : vector<16xf32>
    %add3A_130 = vector.broadcast %add3A_126 : f32 to vector<16xf32>
    %add3A_131 = arith.addf %add3A_130, %mul3A_129 : vector<16xf32>
    %gt3A_132 = arith.constant 0 : i32
    %gt3A_133 = arith.cmpi sgt, %reduce_sum3A_59, %gt3A_132 : i32
    %jit3A_134 = arith.constant 0.000000e+00 : f32
    %broadcast_in_dim3A_135 = vector.broadcast %jit3A_134 : f32 to vector<16xf32>
    %select_n3A_136 = arith.select %gt3A_133, %add3A_131, %broadcast_in_dim3A_135 : vector<16xf32>
    %mul3A_137 = arith.constant 6.250000e-02 : f32
    %mul3A_138 = vector.broadcast %mul3A_137 : f32 to vector<16xf32>
    %mul3A_139 = arith.mulf %select_n3A_136, %mul3A_138 : vector<16xf32>
    %swap3A_140 = arith.constant 0 : index
    %swap3A_141 = tpu.vector_load %arg9[%swap3A_140] {strides = array<i32>} : memref<16xf32, #tpu.memory_space<vmem>>, vector<16xf32>,
    tpu.vector_store %arg9[%swap3A_140], %mul3A_139 {strides = array<i32>} : memref<16xf32, #tpu.memory_space<vmem>>, vector<16xf32>,
    "tpu.region"() ({
      %run_scoped3A = tpu.sem_alloc : memref<!tpu.dma_semaphore, #tpu.memory_space<semaphore_mem>>
      %dma_start3A_148 = arith.constant 0 : i32
      %dma_start3A_149 = tpu.memref_slice %arg10[%dma_start3A_148] : memref<16xf32, #tpu.memory_space<vmem_shared>> -> memref<16xf32, #tpu.memory_space<vmem_shared>>
      tpu.enqueue_indirect_dma source(%arg9 : memref<16xf32, #tpu.memory_space<vmem>>) target(%dma_start3A_149 : memref<16xf32, #tpu.memory_space<vmem_shared>>) offsets(%iota3A : vector<16xi32>) semaphore(%run_scoped3A : memref<!tpu.dma_semaphore, #tpu.memory_space<semaphore_mem>>) {add = true}
      %dma_wait3A_150 = arith.constant 0 : i32
      %dma_wait3A_151 = tpu.memref_slice %arg10[%dma_wait3A_150] : memref<16xf32, #tpu.memory_space<vmem_shared>> -> memref<16xf32, #tpu.memory_space<vmem_shared>>
      tpu.wait_indirect_dma semaphore(%run_scoped3A : memref<!tpu.dma_semaphore, #tpu.memory_space<semaphore_mem>>) src(%arg9 : memref<16xf32, #tpu.memory_space<vmem>>) dst(%dma_wait3A_151 : memref<16xf32, #tpu.memory_space<vmem_shared>>)
      tpu.yield
    }) : () -> ()
    %barrier3A_142 = arith.constant 0 : index
    tpu.barrier barrier_id(%barrier3A_142)
    %eq3A_143 = arith.constant 0 : i32
    %eq3A_144 = arith.cmpi eq, %arg1, %eq3A_143 : i32
    %convert_element_type3A_145 = arith.extui %eq3A_144 : i1 to i32
    %cond3A_146 = arith.constant 0 : i32
    %cond3A_147 = arith.cmpi ne, %convert_element_type3A_145, %cond3A_146 : i32
    scf.if %cond3A_147 {
      "tpu.region"() ({
        %run_scoped3A = tpu.sem_alloc : memref<!tpu.dma_semaphore, #tpu.memory_space<semaphore_mem>>
        tpu.enqueue_dma source(%arg10 : memref<16xf32, #tpu.memory_space<vmem_shared>>) target(%arg5 : memref<16xf32, #tpu.memory_space<hbm>>) target_semaphore(%run_scoped3A : memref<!tpu.dma_semaphore, #tpu.memory_space<semaphore_mem>>)
        tpu.wait_dma2 semaphore(%run_scoped3A : memref<!tpu.dma_semaphore, #tpu.memory_space<semaphore_mem>>) src(%arg10 : memref<16xf32, #tpu.memory_space<vmem_shared>>) dst(%arg5 : memref<16xf32, #tpu.memory_space<hbm>>)
        tpu.yield
      }) : () -> ()
    } else {
    }
    return
  }
}

</mosaic_0001>

<sc_bundles>
// kernel: _sc_loss.3.cloned.1.call-start
scs
__scs_entry_jumppad:
0x0: {  	(pc) =	sbr.rel $0x88, $3  }
0x1: {  	(tag) =	ssettag $0x0;
	lr =	simm.s32 $0x1  }
0x2: {  	[smem:$0x3F9E] =	sst lr;
	_ =	strace $0xD0000000  }
0x3: {  	_ = 	snop  }
0x4: {  	_ = 	snop  }
0x5: {  	_ = 	snop  }
0x6: {  	_ = 	snop  }
0x7: {  	_ = 	snop  }
__scs_overlays_trampoline_lowered:
0x8: {  	[smem:$0x3FAD] =	sst s0  }
0x9: {  	[smem:$0x3FAE] =	sst s1  }
0xa: {  	[smem:$0x3FAF] =	sst s2  }
0xb: {  	[smem:$0x3FB0] =	sst s3  }
0xc: {  	[smem:$0x3FB1] =	sst s4  }
0xd: {  	[smem:$0x3FB2] =	sst s5  }
0xe: {  	[smem:$0x3FB3] =	sst s6  }
0xf: {  	[smem:$0x3FB4] =	sst s7  }
0x10: {  	[smem:$0x3FB5] =	sst s8  }
0x11: {  	[smem:$0x3FB6] =	sst s9;
	s0 =	simm.s32 @!p0 $0x0  }
0x12: {  	s1 =	sld [smem:$0x3F9C];
	s0 =	simm.s32 @p0 $0x1  }
0x13: {  	[smem:$0x3FB7] =	sst s0;
	s0 =	simm.s32 @!p1 $0x0  }
0x14: {  	s2 =	sld [smem:$0x3F9B];
	s0 =	simm.s32 @p1 $0x1  }
0x15: {  	[smem:$0x3FB8] =	sst s0;
	s0 =	simm.s32 @!p2 $0x0  }
0x16: {  	s3 =	sld [smem:$0x3FDB];
	s0 =	simm.s32 @p2 $0x1  }
0x17: {  	s4 =	simm.s32 $0x1BF5;
	[smem:$0x3FBA] =	sst s0  }
0x18: {  	s0 =	sld [smem:$0x3F9D];
	_ =	swait.ge [sflag:s4], $0x0  }
0x19: {  	s7 =	sld [smem:$0x3F9E]  }
0x1a: {  	s8 =	sadd.s32 $0xFFFFE003, lr  }
0x1b: {  	s9 =	sadd.s32 $0xFFFFFEF7, lr;
	s5 =	simm.s32 $0xFFFFFFFF;
	p2 =	slt.u32 s8, $0xFFFFF086  }
0x1c: {  	p1 =	slt.u32 s9, $0xF7A;
	s5 =	simm.s32 @!p2 $0x0  }
0x1d: {  	s5 =	simm.s32 @p1 $0x1;
	p0 =	seq.s32 s7, s2  }
0x1e: {  	s7 =	smul.u32 @!p0 $0xF7A, s2;
	p2 =	seq.s32 @!p0 s5, $0x0  }
0x1f: {  	s9 =	smul.u32 $0xF7A, s1;
	s8 =	simm.s32 @!p0 $0x1BF5;
	p2 =	por !p2, p0  }
0x20: {  	[sflag:s8] =	ssyncset.s32 @!p0 $0xFFFFF086;
	s6 =	sadd.s32 @!p0 s3, s7;
	s7 =	simm.s32 @!p0 $0x108  }
0x21: {  	s3 =	sadd.s32 s3, s9;
	s6 =	sadd.s32 @!p0 $0x88, s6;
	s7 =	simm.s32 @p2 $0x1082  }
0x22: {  	[simem:s7], [sflag:s8] =	dma.local @!p0 [hbm:s6], $0xF7A  }
0x23: {  	s9 =	sor.u32 $0xD0000000, s2;
	s6 =	simm.s32 $0x108;
	_ =	swait.ge @!p0 [sflag:s8], $0x0  }
0x24: {  	s3 =	sadd.s32 $0x88, s3;
	s6 =	simm.s32 @!p1 $0x1082;
	[sflag:s4] =	ssyncset.s32 $0xFFFFF086  }
0x25: {  	[simem:s6], [sflag:s4] =	dma.local [hbm:s3], $0xF7A  }
0x26: {  	[smem:$0x3F9E] =	sst s1;
	(tag) =	ssettag s2;
	_ =	strace s9  }
0x27: {  	s1 =	sld [smem:$0x3FAE]  }
0x28: {  	s2 =	sld [smem:$0x3FAF]  }
0x29: {  	s4 =	sld [smem:$0x3FB1]  }
0x2a: {  	p0 =	seq.s32 s5, $0x0;
	s5 =	sld [smem:$0x3FB2]  }
0x2b: {  	s6 =	sld [smem:$0x3FB3]  }
0x2c: {  	s7 =	sld [smem:$0x3FB4]  }
0x2d: {  	s3 =	simm.s32 $0x108;
	s8 =	sld [smem:$0x3FB5]  }
0x2e: {  	s3 =	simm.s32 @!p0 $0x1082;
	s9 =	sld [smem:$0x3FB6]  }
0x2f: {  	lr =	sadd.s32 s0, s3;
	s0 =	sld [smem:$0x3FAD]  }
0x30: {  	s3 =	sld [smem:$0x3FB0]  }
0x31: {  	[smem:$0x3FB9] =	sst s10  }
0x32: {  	s10 =	sld [smem:$0x3FB7];
	_ =	sdelay $0x3  }
0x33: {  	p0 =	seq.s32 s10, $0x1;
	s10 =	sld [smem:$0x3FB9];
	_ =	sdelay $0x3  }
0x34: {  	[smem:$0x3FB9] =	sst s10  }
0x35: {  	s10 =	sld [smem:$0x3FB8];
	_ =	sdelay $0x3  }
0x36: {  	p1 =	seq.s32 s10, $0x1;
	s10 =	sld [smem:$0x3FB9];
	_ =	sdelay $0x3  }
0x37: {  	[smem:$0x3FB9] =	sst s10  }
0x38: {  	s10 =	sld [smem:$0x3FBA]  }
0x39: {  	_ = 	snop;
	(pc) =	sbr.ind lr, $3  }
0x3a: {  	_ = 	snop  }
0x3b: {  	_ = 	snop  }
0x3c: {  	p2 =	seq.s32 s10, $0x1;
	s10 =	sld [smem:$0x3FB9]  }
0x3d: {  	_ =	shalt  }
0x3e: {  	_ =	shalt  }
0x3f: {  	_ =	shalt  }
0x40: {  	_ =	shalt  }
0x41: {  	_ =	shalt  }
0x42: {  	_ =	shalt  }
0x43: {  	_ =	shalt  }
0x44: {  	_ =	shalt  }
0x45: {  	_ =	shalt  }
0x46: {  	_ =	shalt  }
0x47: {  	_ =	shalt  }
0x48: {  	_ =	shalt  }
0x49: {  	_ =	shalt  }
0x4a: {  	_ =	shalt  }
0x4b: {  	_ =	shalt  }
0x4c: {  	_ =	shalt  }
0x4d: {  	_ =	shalt  }
0x4e: {  	_ =	shalt  }
0x4f: {  	_ =	shalt  }
0x50: {  	_ =	shalt  }
0x51: {  	_ =	shalt  }
0x52: {  	_ =	shalt  }
0x53: {  	_ =	shalt  }
0x54: {  	_ =	shalt  }
0x55: {  	_ =	shalt  }
0x56: {  	_ =	shalt  }
0x57: {  	_ =	shalt  }
0x58: {  	_ =	shalt  }
0x59: {  	_ =	shalt  }
0x5a: {  	_ =	shalt  }
0x5b: {  	_ =	shalt  }
0x5c: {  	_ =	shalt  }
0x5d: {  	_ =	shalt  }
0x5e: {  	_ =	shalt  }
0x5f: {  	_ =	shalt  }
0x60: {  	_ =	shalt  }
0x61: {  	_ =	shalt  }
0x62: {  	_ =	shalt  }
0x63: {  	_ =	shalt  }
0x64: {  	_ =	shalt  }
0x65: {  	_ =	shalt  }
0x66: {  	_ =	shalt  }
0x67: {  	_ =	shalt  }
0x68: {  	_ =	shalt  }
0x69: {  	_ =	shalt  }
0x6a: {  	_ =	shalt  }
0x6b: {  	_ =	shalt  }
0x6c: {  	_ =	shalt  }
0x6d: {  	_ =	shalt  }
0x6e: {  	_ =	shalt  }
0x6f: {  	_ =	shalt  }
0x70: {  	_ =	shalt  }
0x71: {  	_ =	shalt  }
0x72: {  	_ =	shalt  }
0x73: {  	_ =	shalt  }
0x74: {  	_ =	shalt  }
0x75: {  	_ =	shalt  }
0x76: {  	_ =	shalt  }
0x77: {  	_ =	shalt  }
0x78: {  	_ =	shalt  }
0x79: {  	_ =	shalt  }
0x7a: {  	_ =	shalt  }
0x7b: {  	_ =	shalt  }
0x7c: {  	_ =	shalt  }
0x7d: {  	_ =	shalt  }
0x7e: {  	_ =	shalt  }
0x7f: {  	_ =	shalt  }
0x80: {  	_ =	shalt  }
0x81: {  	_ =	shalt  }
0x82: {  	_ =	shalt  }
0x83: {  	_ =	shalt  }
0x84: {  	_ =	shalt  }
0x85: {  	_ =	shalt  }
0x86: {  	_ =	shalt  }
0x87: {  	_ =	shalt  }
.Lfunc_end0:
.L_simem_size_0:
called_computation_lowered:
.L_overlay_start_0:
0x88: {  	s0 =	sld [smem:$0x3FD9]  }
0x89: {  	s1 =	sld [smem:$0x3FFE];
	_ =	sdelay $0x3  }
0x8a: {  	s0 =	sadd.s32 s1, s0  }
0x8b: {  	[smem:$0x3FC5] =	sst s0  }
0x8c: {  	_ = 	snop  }
0x8d: {  	s0 =	sld [smem:$0x3FC9]  }
0x8e: {  	s17 =	sld [smem:$0x3FC8]  }
0x8f: {  	s2 =	sld [smem:$0x3FC7]  }
0x90: {  	s3 =	sld [smem:$0x3FD0];
	(tm) =	ssettm $0x1  }
0x91: {  	s4 =	sld [smem:$0x3FFB];
	_ =	sdelay $0x3  }
0x92: {  	_ =	strace s4  }
0x93: {  	s4 =	sld [smem:$0x3FFC];
	_ =	sdelay $0x3  }
0x94: {  	_ =	strace s4  }
0x95: {  	s4 =	sld [smem:$0x3FFD];
	_ =	sdelay $0x3  }
0x96: {  	_ =	strace s4  }
0x97: {  	_ =	strace $0x8FFFFFFF  }
0x98: {  	s18 =	sld [smem:$0x3FDB];
	_ =	sdelay $0x1  }
0x99: {  	s5 =	simm.s32 $_scs_section_size  }
0x9a: {  	s6 =	simm.s32 $_size__tile_overlayer_lowered;
	s7 =	simm.s32 $_tile_overlayer_lowered  }
0x9b: {  	s21 =	simm.s32 $0x1BFF;
	s20 =	sshll.u32 s7, $0x1;
	s4 =	sadd.s32 s5, s18  }
0x9c: {  	s8 =	simm.s32 $0x0;
	s19 =	sshll.u32 s6, $0x1;
	s6 =	sadd.s32 s20, s4  }
0x9d: {  	[timem:s8], [sflag:s21] =	dma.local [hbm:s6], s19  }
0x9e: {  	_ =	swait.ge [sflag:s21], s19  }
0x9f: {  	s5 =	ssub.s32 $0x0, s19;
	[sflag:s21] =	ssyncset.done $0x0  }
0xa0: {  	[sflag:s21] =	ssyncadd.s32 s5;
	_ =	sdelay $0x1  }
0xa1: {  	s22 =	simm.s32 $0x1B8B  }
0xa2: {  	_ =	swait.ge [sflag:s22], $0x1  }
0xa3: {  	[sflag:s22] =	ssyncset.done $0x0  }
0xa4: {  	s23 =	simm.s32 $0x1B8E;
	[sflag:s22] =	ssyncadd.s32 $0xFFFFFFFF  }
0xa5: {  	s24 =	simm.s32 $execute0_lowered;
	[smem:$0x3FD2] =	sst s23  }
0xa6: {  	s5 =	sshll.u32 s24, $0x1;
	_ =	strace $0x80000046;
	[dreg:$0x1] =	wrdreg $0xFFFFFFFF  }
0xa7: {  	s25 =	simm.s32 $_size_execute0_lowered;
	s4 =	sadd.s32 s4, s5;
	[dreg:$0x0] =	wrdreg $0x0  }
0xa8: {  	s5 =	sshll.u32 s25, $0x1;
	[dreg:$0x2] =	wrdreg s4  }
0xa9: {  	[dreg:$0x3] =	wrdreg s5  }
0xaa: {  	[dreg:$0x4] =	wrdreg $0xC0  }
0xab: {  	_ =	task [dreg:s8], $0x5FFFF  }
0xac: {  	[dreg:$0x1] =	wrdreg $0xFFFFFFFF  }
0xad: {  	[dreg:$0x0] =	wrdreg $0x60  }
0xae: {  	[dreg:$0x2] =	wrdreg s0  }
0xaf: {  	[dreg:$0x3] =	wrdreg s17  }
0xb0: {  	[dreg:$0x4] =	wrdreg s2  }
0xb1: {  	[dreg:$0x5] =	wrdreg s3  }
0xb2: {  	[dreg:$0x6] =	wrdreg $0x30800  }
0xb3: {  	[dreg:$0x7] =	wrdreg $0x9  }
0xb4: {  	_ =	task.clear_ibuf [dreg:s8], $0x8FFFF;
	_ =	strace $0x90000046  }
0xb5: {  	s26 =	simm.s32 $0x9;
	_ =	strace $0x80000048  }
0xb6: {  	_ =	swait.ge [sflag:s26], $0x1  }
0xb7: {  	[sflag:s26] =	ssyncadd.s32 $0xFFFFFFFF  }
0xb8: {  	_ =	strace $0x90000048  }
0xb9: {  	_ =	sfence  }
0xba: {  	s28 =	sld [smem:$0x0];
	_ =	sdelay $0x1  }
0xbb: {  	s29 =	srdreg.scid  }
0xbc: {  	s30 =	sshll.u32 s29, $0xD;
	s31 =	sshrl.u32 s29, $0x2  }
0xbd: {  	s1 =	sand.u32 $0x1, s29;
	s2 =	sand.u32 $0x4000, s30;
	s0 =	sadd.s32 s31, s28  }
0xbe: {  	s1 =	sor.u32 s2, s1;
	s0 =	sshll.u32 s0, $0x11  }
0xbf: {  	s0 =	sor.u32 s0, s1  }
0xc0: {  	s0 =	sadd.s32 $0x8F2B, s0  }
0xc1: {  	[sflag:s0] =	ssyncadd.remote.s32 $0x1  }
0xc2: {  	_ =	sfence.sel $0xFFFF  }
0xc3: {  	[dreg:$0x0] =	wrdreg $0xFFFFFFFF;
	(pc) =	sbr.abs _section_cstart, $3  }
0xc4: {  	[dreg:$0x1] =	wrdreg $0xFFFFFFFF  }
0xc5: {  	_ =	task.clear_ibuf [dreg:s8], $0x2FFFF;
	_ =	strace $0x9FFFFFFF  }
0xc6: {  	(tm) =	ssettm $0x7FFFFFFF  }
0xc7: {  	_ =	shalt  }
tec
execute0_lowered:
.L_overlay_start_1:
0x0: {  	(tag) =	ssettag $0x1  }
0x1: {  	s3 =	rddreg [dreg:$0x0]  }
0x2: {  	s4 =	rddreg [dreg:$0x1]  }
0x3: {  	s5 =	rddreg [dreg:$0x2]  }
0x4: {  	s1 =	rddreg [dreg:$0x3];
	s6 =	stileid.u32  }
0x5: {  	s2 =	rddreg [dreg:$0x4];
	s8 =	sshll.u32 s6, $0x9;
	s9 =	sshll.u32 s6, $0x4  }
0x6: {  	s0 =	rddreg [dreg:$0x5];
	s7 =	simm.s32 $0x0;
	s8 =	sor.u32 s9, s8  }
0x7: {  	s24 =	simm.s32 $0x80;
	[smem:$0x7FF] =	sst s7;
	s8 =	sand.u32 $0x1070, s8  }
0x8: {  	s10 =	simm.s32 $0x400;
	_ =	strace $0x80000047;
	s3 =	sadd.s32 s3, s8  }
0x9: {  	[tilespmem:s7], [sflag:$0x1] =	stream.strided.gather [hbm4b:s3+s24], $0x1000, s10, s24, $0x38;
	[tilespmem:$0x3088] =	vst v63  }
0xa: {  	s26 =	simm.s32 $0x1000;
	s25 =	sadd.s32 s4, s8  }
0xb: {  	[tilespmem:s26], [sflag:$0x1] =	stream.strided.gather [hbm4b:s25+s24], $0x1000, s10, s24, $0x38;
	[tilespmem:$0x3088] =	vst v63  }
0xc: {  	s29 =	simm.s32 $0x2000;
	p0 =	sne.s32 s6, $0x0;
	s28 =	sadd.s32 s5, s8  }
0xd: {  	v7 =	vimm.f32 $0.0e+00;
	[tilespmem:s29], [sflag:$0x1] =	stream.strided.gather [hbm4b:s28+s24], $0x1000, s10, s24, $0x38;
	[tilespmem:$0x3088] =	vst v63  }
0xe: {  	s3 =	simm.s32 @!p0 $0x3000;
	[tilespmem:$0x3000] =	vst v7  }
0xf: {  	[spmem:s2] =	stream.linear.scatter @!p0 [tilespmem:s3], [sflag:$0x2], $0x80, $0x38;
	[tilespmem:$0x3088] =	vst v63  }
0x10: {  	s3 =	simm.s32 @!p0 $0x2  }
0x11: {  	_ =	swait.ge @!p0 [sflag:s3], $0x80  }
0x12: {  	[sflag:s3] =	ssyncset.done @!p0 $0x0  }
0x13: {  	[sflag:s3] =	ssyncadd.s32 @!p0 $0xFFFFFF80  }
0x14: {  	s30 =	simm.s32 $0x1;
	[bflag:$0x0] =	sbarrier.arrive $0xFFFF  }
0x15: {  	_ =	swait.ge [sflag:s30], $0x1000  }
0x16: {  	[sflag:s30] =	ssyncset.done $0x0  }
0x17: {  	[sflag:s30] =	ssyncadd.s32 $0xFFFFF000  }
0x18: {  	_ =	swait.ge [sflag:s30], $0x1000  }
0x19: {  	[sflag:s30] =	ssyncset.done $0x0  }
0x1a: {  	[sflag:s30] =	ssyncadd.s32 $0xFFFFF000  }
0x1b: {  	_ =	swait.ge [sflag:s30], $0x1000  }
0x1c: {  	[sflag:s30] =	ssyncset.done $0x0  }
0x1d: {  	s31 =	simm.s32 $0x2020;
	[sflag:s30] =	ssyncadd.s32 $0xFFFFF000  }
0x1e: {  	v5 =	vld [tilespmem:s31+$0x10]  }
0x1f: {  	s3 =	simm.s32 $0x20;
	v10 =	vld [tilespmem:s31+$0x0]  }
0x20: {  	s4 =	simm.s32 $0x1020;
	v9 =	vld [tilespmem:s3+$0x10]  }
0x21: {  	v14 =	vld [tilespmem:s4+$0x10]  }
0x22: {  	v15 =	vld [tilespmem:s3+$0x0]  }
0x23: {  	v6 =	vld [tilespmem:s3+$0xFFFFFFE0]  }
0x24: {  	v4 =	vld [tilespmem:s4+$0xFFFFFFE0]  }
0x25: {  	v16 =	vld [tilespmem:s3+$0xFFFFFFF0]  }
0x26: {  	v8 =	vld [tilespmem:s4+$0xFFFFFFF0]  }
0x27: {  	v18 =	vld [tilespmem:s31+$0xFFFFFFE0]  }
0x28: {  	v20 =	vld [tilespmem:s4+$0x0]  }
0x29: {  	v0 =	vlaneseq.u32;
	v19 =	vld [tilespmem:s31+$0xFFFFFFF0]  }
0x2a: {  	v11 =	vimm.f32 $-Inf;
	v13 =	vimm.s32 $0x0;
	v3 =	vadd.s32 $0x10, v0  }
0x2b: {  	v2 =	vadd.s32 $0x20, v0;
	v1 =	vadd.s32 $0x30, v0;
	v12 =	vsub.f32 v6, v4  }
0x2c: {  	v17 =	vsub.f32 v16, v8;
	vm2 =	vgt.s32 v5, $0x0;
	vm0 =	vgt.s32 v18, $0x0  }
0x2d: {  	v22 =	vsub.f32 v9, v14;
	v21 =	vsub.f32 v15, v20;
	v12 =	vmul.f32 v12, v12  }
0x2e: {  	vm3 =	vgt.s32 v10, $0x0;
	vm1 =	vgt.s32 v19, $0x0;
	v17 =	vmul.f32 v17, v17  }
0x2f: {  	v24 =	vmul.f32 v21, v21;
	v22 =	vmul.f32 v22, v22;
	v12 =	vnsel vm0, $0x0, v12  }
0x30: {  	v23 =	vadd.f32 v12, v7;
	v12 =	vnsel vm2, $0xFF7FFFFF, v9;
	v9 =	vnsel vm1, $0x0, v17  }
0x31: {  	v7 =	vnsel vm2, $0xFF7FFFFF, v14;
	v17 =	vnsel vm3, $0xFF7FFFFF, v15;
	v14 =	vnsel vm3, $0xFF7FFFFF, v20  }
0x32: {  	v20 =	vnsel vm1, $0xFF7FFFFF, v16;
	v15 =	vimm.f32 $-Inf;
	v21 =	vadd.f32 v9, v23  }
0x33: {  	s6 =	simm.s32 $0x2060;
	s5 =	simm.s32 $0x0;
	v16 =	vimm.s32 $0x0;
	v23 =	vnsel vm3, $0x0, v24;
	v9 =	vimm.s32 $0x0  }
.LBB2_1:
0x34: {  	v24 =	vld [tilespmem:s6+$0x10];
	v13 =	vadd.s32 v13, v18;
	v8 =	vnsel vm1, $0xFF7FFFFF, v8;
	v18 =	vadd.f32 v23, v21  }
0x35: {  	v6 =	vnsel vm0, $0xFF7FFFFF, v6;
	s3 =	sadd.s32 $0x40, s3;
	v21 =	vld [tilespmem:s6+$0x0];
	v13 =	vadd.s32 v19, v13;
	v19 =	vnsel vm2, $0x0, v22  }
0x36: {  	v4 =	vnsel vm0, $0xFF7FFFFF, v4;
	s4 =	sadd.s32 $0x40, s4;
	v22 =	vld [tilespmem:s3+$0x10];
	v10 =	vadd.s32 v10, v13;
	v23 =	vadd.f32 v19, v18  }
0x37: {  	vm0 =	vgt.f32 v6, v11;
	vm1 =	vgt.f32 v4, v15;
	v25 =	vld [tilespmem:s4+$0x10];
	v13 =	vadd.s32 v5, v10  }
0x38: {  	v18 =	vsel vm0, v6, v11;
	v11 =	vsel vm1, v4, v15;
	v9 =	vsel vm1, v0, v9;
	v26 =	vld [tilespmem:s3+$0x0]  }
0x39: {  	v15 =	vsel vm0, v0, v16;
	vm0 =	vgt.f32 v20, v18;
	vm1 =	vgt.f32 v8, v11;
	v6 =	vld [tilespmem:s3+$0xFFFFFFE0];
	v5 =	vmovc v24  }
0x3a: {  	v16 =	vsel vm0, v20, v18;
	v11 =	vsel vm1, v8, v11;
	v9 =	vsel vm1, v3, v9;
	v4 =	vld [tilespmem:s4+$0xFFFFFFE0];
	v10 =	vmovc v21  }
0x3b: {  	v3 =	vsel vm0, v3, v15;
	vm0 =	vgt.f32 v17, v16;
	vm1 =	vgt.f32 v14, v11;
	v20 =	vld [tilespmem:s3+$0xFFFFFFF0]  }
0x3c: {  	v15 =	vsel vm0, v17, v16;
	v14 =	vsel vm1, v14, v11;
	v9 =	vsel vm1, v2, v9;
	v8 =	vld [tilespmem:s4+$0xFFFFFFF0]  }
0x3d: {  	v2 =	vsel vm0, v2, v3;
	vm0 =	vgt.f32 v12, v15;
	vm1 =	vgt.f32 v7, v14;
	v18 =	vld [tilespmem:s6+$0xFFFFFFE0]  }
0x3e: {  	v11 =	vsel vm0, v12, v15;
	v15 =	vsel vm1, v7, v14;
	v9 =	vsel vm1, v1, v9;
	v24 =	vld [tilespmem:s4+$0x0]  }
0x3f: {  	v0 =	vadd.s32 $0x40, v0;
	v16 =	vsel vm0, v1, v2;
	v7 =	vsub.f32 v6, v4;
	v19 =	vld [tilespmem:s6+$0xFFFFFFF0]  }
0x40: {  	v3 =	vadd.s32 $0x10, v0;
	v2 =	vadd.s32 $0x20, v0;
	v1 =	vadd.s32 $0x30, v0  }
0x41: {  	s5 =	sadd.s32 $0x40, s5;
	vm2 =	vgt.s32 v5, $0x0;
	v7 =	vmul.f32 v7, v7;
	v12 =	vsub.f32 v20, v8  }
0x42: {  	p1 =	slt.u32 s5, $0xFC0;
	vm3 =	vgt.s32 v10, $0x0;
	v27 =	vsub.f32 v22, v25;
	vm0 =	vgt.s32 v18, $0x0  }
.Ltmp0:
0x43: {  	v7 =	vnsel vm0, $0x0, v7;
	v14 =	vmul.f32 v12, v12;
	v17 =	vsub.f32 v26, v24;
	(pc) =	sbr.rel @p1 .LBB2_1-.Ltmp0, $4  }
0x44: {  	v12 =	vnsel vm2, $0xFF7FFFFF, v22;
	v21 =	vadd.f32 v7, v23;
	vm1 =	vgt.s32 v19, $0x0  }
0x45: {  	v7 =	vnsel vm2, $0xFF7FFFFF, v25;
	v14 =	vnsel vm1, $0x0, v14;
	v22 =	vmul.f32 v17, v17  }
0x46: {  	v17 =	vnsel vm3, $0xFF7FFFFF, v26;
	v21 =	vadd.f32 v14, v21;
	v14 =	vnsel vm3, $0xFF7FFFFF, v24  }
0x47: {  	s6 =	sadd.s32 $0x40, s6;
	v20 =	vnsel vm1, $0xFF7FFFFF, v20;
	v23 =	vnsel vm3, $0x0, v22;
	v22 =	vmul.f32 v27, v27  }
0x48: {  	v13 =	vadd.s32 v13, v18  }
0x49: {  	v13 =	vadd.s32 v19, v13  }
0x4a: {  	v10 =	vadd.s32 v10, v13  }
0x4b: {  	v5 =	vadd.s32 v5, v10  }
0x4c: {  	(xrf0) =	vadd.scan.msk.s32 $0xffff, v5;
	_ =	sdelay $0x5  }
0x4d: {  	v5, _, _ =	vpop (xrf0)  }
0x4e: {  	(v2sf) =	vpush v5, $0xF;
	_ =	sdelay $0xd  }
0x4f: {  	v44 =	vadd.f32 v23, v21  }
0x50: {  	v45 =	vnsel vm2, $0x0, v22;
	s3 =	spop (v2sf)  }
0x51: {  	v5 =	vadd.f32 v45, v44;
	p1 =	sgt.s32 s3, $0x1;
	s4 =	smov.u32 s3  }
0x52: {  	s4 =	simm.s32 @!p1 $0x1  }
0x53: {  	(xrf2) =	vadd.scan.msk.f32 $0xffff, v5;
	s4 =	scvt.s32.f32 s4;
	_ =	sdelay $0x1  }
0x54: {  	v46 =	vmov s4  }
0x55: {  	(erf) = vrcp.f32 v46;
	_ =	sdelay $0x1  }
0x56: {  	v47 =	vnsel vm0, $0xFF7FFFFF, v6  }
0x57: {  	vm9 =	vgt.f32 v47, v11  }
0x58: {  	v5 =	vsel vm9, v47, v11  }
0x59: {  	vm3 =	vgt.f32 v20, v5  }
0x5a: {  	v5 =	vsel vm3, v20, v5  }
0x5b: {  	vm4 =	vgt.f32 v17, v5;
	v48, _, _ =	vpop (xrf2)  }
0x5c: {  	v5 =	vsel vm4, v17, v5;
	v6 =	vbroadcast v48, $0xF  }
0x5d: {  	vm5 =	vgt.f32 v12, v5;
	v49 =	vpop (erf)  }
0x5e: {  	v5 =	vsel vm5, v12, v5;
	v6 =	vmul.f32 v49, v6  }
0x5f: {  	(xrf0) =	vmax.scan.msk.f32 $0xffff, v5  }
0x60: {  	v10 =	vshra.s32 v6, $0x1  }
0x61: {  	v10 =	vadd.s32 $0x1FBD1DF5, v10  }
0x62: {  	v4 =	vnsel vm0, $0xFF7FFFFF, v4;
	(erf) = vrcp.f32 v10  }
0x63: {  	vm0 =	vgt.f32 v4, v15  }
0x64: {  	v8 =	vnsel vm1, $0xFF7FFFFF, v8;
	v50 =	vsel vm9, v0, v16;
	v4 =	vsel vm0, v4, v15  }
0x65: {  	vm1 =	vgt.f32 v8, v4;
	v11 =	vsel vm3, v3, v50;
	v51, _, _ =	vpop (xrf0)  }
0x66: {  	v4 =	vsel vm1, v8, v4;
	v52 =	vsel vm4, v2, v11;
	v53 =	vbroadcast v51, $0xF  }
0x67: {  	vm10 =	vgt.f32 v14, v4;
	v8 =	vsel vm5, v1, v52  }
0x68: {  	v4 =	vsel vm10, v14, v4;
	v54 =	vxor.u32 $0x80000000, v8;
	vm11 =	veq.f32 v5, v53  }
0x69: {  	vm12 =	vgt.f32 v7, v4;
	v5 =	vnsel vm11, $0xFFFFFFFF, v54  }
0x6a: {  	v4 =	vsel vm12, v7, v4;
	(xrf0) =	vmin.scan.msk.u32 $0xffff, v5  }
0x6b: {  	(xrf0) =	vmax.scan.msk.f32 $0xffff, v4;
	v55 =	vpop (erf)  }
0x6c: {  	v5 =	vmul.f32 v55, v6;
	_ =	sdelay $0x1  }
0x6d: {  	v5 =	vadd.f32 v10, v5;
	_ =	sdelay $0x1  }
0x6e: {  	v57 =	vsel vm0, v0, v9;
	v56, _, _ =	vpop (xrf0);
	v5 =	vmul.f32 $5.000000000e-01, v5  }
0x6f: {  	v0 =	vsel vm1, v3, v57;
	v58, _, _ =	vpop (xrf0)  }
0x70: {  	v0 =	vsel vm10, v2, v0;
	v59 =	vbroadcast v58, $0xF;
	(erf) = vrcp.f32 v5  }
0x71: {  	v0 =	vsel vm12, v1, v0  }
0x72: {  	v0 =	vxor.u32 $0x80000000, v0;
	vm13 =	veq.f32 v4, v59  }
0x73: {  	v0 =	vnsel vm13, $0xFFFFFFFF, v0  }
0x74: {  	(xrf0) =	vmin.scan.msk.u32 $0xffff, v0;
	_ =	sdelay $0x3  }
0x75: {  	(v2sf) =	vpush v51, $0xF  }
0x76: {  	(v2sf) =	vpush v56, $0xF;
	v60 =	vpop (erf)  }
0x77: {  	(v2sf) =	vpush v58, $0xF;
	v61, _, _ =	vpop (xrf0);
	v0 =	vmul.f32 v60, v6  }
0x78: {  	(v2sf) =	vpush v61, $0xF  }
0x79: {  	v0 =	vadd.f32 v0, v5;
	_ =	sdelay $0x1  }
0x7a: {  	v0 =	vmul.f32 $5.000000000e-01, v0;
	_ =	sdelay $0x1  }
0x7b: {  	(erf) = vrcp.f32 v0;
	_ =	sdelay $0x6  }
0x7c: {  	s28 =	spop (v2sf)  }
0x7d: {  	s5 =	spop (v2sf)  }
0x7e: {  	s6 =	spop (v2sf);
	v62 =	vpop (erf)  }
0x7f: {  	s7 =	spop (v2sf);
	v1 =	vmul.f32 v62, v6  }
0x80: {  	s5 =	sxor.u32 $0x80000000, s5;
	s4 =	ssub.f32 s28, s6;
	s7 =	sxor.u32 $0x80000000, s7  }
0x81: {  	s5 =	scvt.s32.f32 s5;
	s29 =	scvt.s32.f32 s7;
	v0 =	vadd.f32 v1, v0  }
0x82: {  	_ = 	snop  }
0x83: {  	s4 =	sand.u32 $0x7FFFFFFF, s4;
	s5 =	ssub.f32 s5, s29;
	v0 =	vmul.f32 $5.000000000e-01, v0  }
0x84: {  	s4 =	sadd.f32 s4, s4  }
0x85: {  	s5 =	sand.u32 $0x7FFFFFFF, s5;
	v0 =	vmul.f32 $5.000000000e-01, v0  }
0x86: {  	vm14 =	vgt.f32 v6, $0.0e+00;
	s4 =	sadd.f32 s5, s4  }
0x87: {  	v0 =	vnsel vm14, $0x0, v0  }
0x88: {  	v0 =	vadd.f32 s4, v0  }
0x89: {  	v63 =	vlaneseq.u32  }
0x8a: {  	v0 =	vmul.f32 $6.250000000e-02, v0  }
0x8b: {  	p6 =	sgt.s32 s3, $0x0  }
0x8c: {  	v0 =	vpsel !p6, $0x0, v0  }
0x8d: {  	vm15 =	vmmov $0xffff;
	s30 =	simm.s32 $0x3000;
	s31 =	simm.s32 $0x2;
	[tilespmem:$0x3000] =	vst v0  }
0x8e: {  	[spmem:s2] =	stream.indirect_vreg.scatter.add.f32 [tilespmem:s30], [sflag:$0x2], $0x1, v63, vm15, $0xb8;
	[tilespmem:$0x3088] =	vst v63  }
0x8f: {  	_ =	swait.ge [sflag:s31], $0x10  }
0x90: {  	[sflag:s31] =	ssyncset.done $0x0  }
0x91: {  	[sflag:s31] =	ssyncadd.s32 $0xFFFFFFF0  }
0x92: {  	[bflag:$0x0] =	sbarrier.arrive $0xFFFF  }
0x93: {  	_ =	sfence.sel @p0 $0x180000  }
0x94: {  	[bflag:$0x0] =	sbarrier.arrive @p0 $0xFFFF  }
0x95: {  	_ =	strace @p0 $0x90000047  }
0x96: {  	s3 =	simm.s32 @!p0 $0x1C02;
	s2 =	sshrl.u32 @!p0 s2, $0x3;
	[bflag:$0x2] =	sbarrier.arrive @p0 $0xFFFF  }
0x97: {  	[hbm:s1], [sflag:s3] =	dma.local @!p0 [spmem:s2], $0x10  }
0x98: {  	s1 =	simm.s32 @!p0 $0x2  }
0x99: {  	_ =	swait.ge @!p0 [sflag:s1], $0x10  }
0x9a: {  	[sflag:s1] =	ssyncset.done @!p0 $0x0  }
0x9b: {  	[sflag:s1] =	ssyncadd.s32 @!p0 $0xFFFFFFF0  }
0x9c: {  	_ =	sfence.sel @!p0 $0x180000  }
0x9d: {  	[bflag:$0x0] =	sbarrier.arrive @!p0 $0xFFFF  }
0x9e: {  	_ =	strace @!p0 $0x90000047  }
0x9f: {  	s0 =	sadd.s32 @!p0 $0x100000, s0;
	[bflag:$0x2] =	sbarrier.arrive @!p0 $0xFFFF  }
0xa0: {  	[sflag:s0] =	ssyncadd.tile.s32 @!p0 $0x1;
	_ =	shalt  }
.Lfunc_end2:
_tile_overlayer_lowered:
.L_overlay_start_2:
0xa1: {  	(tag) =	ssettag $0x2  }
0xa2: {  	s0 =	rddreg [dreg:$0x0];
	s2 =	stileid.u32  }
0xa3: {  	s1 =	rddreg [dreg:$0x1];
	p0 =	sne.s32 s2, $0x0  }
0xa4: {  	s3 =	rddreg [dreg:$0x2];
	[bflag:$0x3] =	sbarrier.arrive $0xFFFF;
	s2 =	simm.s32 @!p0 $0x1C02  }
0xa5: {  	[timem:s3], [sflag:s2] =	dma.local @!p0 [hbm:s0], s1  }
0xa6: {  	s0 =	simm.s32 @!p0 $0x2  }
0xa7: {  	_ =	swait.ge @!p0 [sflag:s0], s1  }
0xa8: {  	s1 =	ssub.s32 @!p0 $0x0, s1;
	[sflag:s0] =	ssyncset.done @!p0 $0x0  }
0xa9: {  	[sflag:s0] =	ssyncadd.s32 @!p0 s1  }
0xaa: {  	[bflag:$0x3] =	sbarrier.arrive $0xFFFF  }
0xab: {  	_ =	shalt  }

</sc_bundles>
